<compile_context>
chip_gen: v7x
topology: tpu7x:2x2x1
jax: 0.10.2.dev20260603
libtpu: 0.0.44.dev20260713+nightly
codegen_flags: <defaults>
</compile_context>

<pallas_src>
import functools

import jax
import jax.numpy as jnp
from jax import lax
from jax.experimental import pallas as pl
from jax.experimental.pallas import tpu as pltpu
from jax.experimental.pallas import tpu_sc as plsc

N_EDGES = 640000
EMB_DIM = 128

_info = plsc.get_sparse_core_info()
NUM_CORES = _info.num_cores
NUM_SUBCORES = _info.num_subcores
NW = NUM_CORES * NUM_SUBCORES
B_PER_W = N_EDGES // NW
CHUNK = 80
GPS = 5
SUP = CHUNK * GPS
N_SUP = B_PER_W // SUP


def _sc_body(idx_hbm, table_hbm, out_hbm, table_sh, idx_v,
             buf0, buf1, g0, g1, w0, w1):
    sid = lax.axis_index("s")
    wid = sid * NUM_CORES + lax.axis_index("c")
    base = wid * B_PER_W

    @pl.when(sid == 0)
    def _():
        pltpu.sync_copy(table_hbm, table_sh)

    pltpu.sync_copy(idx_hbm.at[pl.ds(base, B_PER_W)], idx_v)
    plsc.subcore_barrier()

    def fire_gathers(s, buf, gsem):
        for i in range(GPS):
            pltpu.async_copy(
                table_sh.at[idx_v.at[pl.ds((s * GPS + i) * CHUNK, CHUNK)]],
                buf.at[pl.ds(i * CHUNK, CHUNK)], gsem)

    def wait_gathers(s, buf, gsem):
        for i in range(GPS):
            pltpu.make_async_copy(
                table_sh.at[idx_v.at[pl.ds((s * GPS + i) * CHUNK, CHUNK)]],
                buf.at[pl.ds(i * CHUNK, CHUNK)], gsem).wait()

    def write(s, buf, wsem):
        pltpu.make_async_copy(
            buf, out_hbm.at[pl.ds(base + s * SUP, SUP)], wsem).start()

    def wait_write(s, buf, wsem):
        pltpu.make_async_copy(
            buf, out_hbm.at[pl.ds(base + s * SUP, SUP)], wsem).wait()

    fire_gathers(0, buf0, g0)

    def body(k, _):
        s0 = 2 * k
        s1 = 2 * k + 1
        wait_gathers(s0, buf0, g0)
        write(s0, buf0, w0)

        @pl.when(k > 0)
        def _():
            wait_write(s1 - 2, buf1, w1)

        fire_gathers(s1, buf1, g1)
        wait_gathers(s1, buf1, g1)
        write(s1, buf1, w1)
        wait_write(s0, buf0, w0)

        @pl.when(s0 + 2 < N_SUP)
        def _():
            fire_gathers(s0 + 2, buf0, g0)

        return 0

    lax.fori_loop(0, N_SUP // 2, body, 0)
    wait_write(N_SUP - 1, buf1, w1)


@functools.partial(jax.jit, static_argnames=())
def _sc_lookup(idx, table):
    mesh = plsc.VectorSubcoreMesh(core_axis_name="c", subcore_axis_name="s")
    f = pl.kernel(
        _sc_body,
        out_type=jax.ShapeDtypeStruct((N_EDGES, EMB_DIM), jnp.float32),
        mesh=mesh,
        scratch_types=[
            pltpu.VMEM_SHARED((14, EMB_DIM), jnp.float32),
            pltpu.VMEM((B_PER_W,), jnp.int32),
            pltpu.VMEM((SUP, EMB_DIM), jnp.float32),
            pltpu.VMEM((SUP, EMB_DIM), jnp.float32),
            pltpu.SemaphoreType.DMA,
            pltpu.SemaphoreType.DMA,
            pltpu.SemaphoreType.DMA,
            pltpu.SemaphoreType.DMA,
        ],
    )
    return f(idx, table)


def kernel(hedge_attr, emb_weight):
    return _sc_lookup(hedge_attr.astype(jnp.int32), emb_weight)

# --- scband reference (transcript-rebuilt; emitter-appended) ---
"""Pipeline reference for scband-hbond-encoder-64793876628042 (READ-ONLY COPY).

The authoritative reference and input builder live on the scoring server;
editing this copy changes nothing except your own understanding.
"""

import jax, jax.numpy as jnp
import numpy as np

TOTAL_BONDTYPE_NUM = 14  # 5 normal + 1 conjugated + 8 fgroup
EMB_DIM = 128
N_EDGES = 640000

def setup_inputs(seed: int = 0) -> dict:
    key = jax.random.key(seed)
    k1, k2 = jax.random.split(key)
    hedge_attr = jax.random.randint(k1, (N_EDGES,), 0, TOTAL_BONDTYPE_NUM, dtype=jnp.int64 if jax.config.jax_enable_x64 else jnp.int32)
    # Xavier-uniform init for embedding table [14, 128]
    fan_in, fan_out = TOTAL_BONDTYPE_NUM, EMB_DIM
    limit = float(np.sqrt(6.0 / (fan_in + fan_out)))
    emb_weight = jax.random.uniform(k2, (TOTAL_BONDTYPE_NUM, EMB_DIM), minval=-limit, maxval=limit, dtype=jnp.float32)
    return {"hedge_attr": hedge_attr, "emb_weight": emb_weight}

def reference(hedge_attr, emb_weight):
    # torch.nn.Embedding lookup == row gather from the table
    hbond_embedding = jnp.take(emb_weight, hedge_attr, axis=0)
    return hbond_embedding

if __name__ == "__main__":
    import jax
    _d = setup_inputs()
    print(jax.jit(kernel)(*tuple(_d.values())))

</pallas_src>

<mosaic_0001>
#map = affine_map<(d0, d1) -> (0)>
#map1 = affine_map<(d0, d1) -> (0, 0)>
module attributes {stable_mosaic.version = 14 : i64} {
  func.func @_sc_body(%arg0: i32, %arg1: i32, %arg2: memref<640000xi32, #tpu.memory_space<hbm>>, %arg3: memref<14x128xf32, #tpu.memory_space<hbm>>, %arg4: memref<640000x128xf32, #tpu.memory_space<hbm>>, %arg5: memref<14x128xf32, #tpu.memory_space<vmem_shared>>, %arg6: memref<20000xi32, #tpu.memory_space<vmem>>, %arg7: memref<400x128xf32, #tpu.memory_space<vmem>>, %arg8: memref<400x128xf32, #tpu.memory_space<vmem>>, %arg9: memref<!tpu.dma_semaphore, #tpu.memory_space<semaphore_mem>>, %arg10: memref<!tpu.dma_semaphore, #tpu.memory_space<semaphore_mem>>, %arg11: memref<!tpu.dma_semaphore, #tpu.memory_space<semaphore_mem>>, %arg12: memref<!tpu.dma_semaphore, #tpu.memory_space<semaphore_mem>>) attributes {dimension_semantics = [#tpu.dimension_semantics<core_parallel>, #tpu.dimension_semantics<subcore_parallel>], iteration_bounds = array<i64: 2, 16>, scalar_prefetch = 0 : i64, scratch_operands = 8 : i64, tpu.core_type = #tpu.core_type<sc_vector_subcore>, window_params = [{transform_indices = #map}, {transform_indices = #map1}, {transform_indices = #map1}]} {
    %mul3A = arith.constant 2 : i32
    %mul3A_0 = arith.muli %arg1, %mul3A : i32
    %add3A = arith.addi %mul3A_0, %arg0 : i32
    %mul3A_1 = arith.constant 20000 : i32
    %mul3A_2 = arith.muli %add3A, %mul3A_1 : i32
    %eq3A = arith.constant 0 : i32
    %eq3A_3 = arith.cmpi eq, %arg1, %eq3A : i32
    %convert_element_type3A = arith.extui %eq3A_3 : i1 to i32
    %cond3A = arith.constant 0 : i32
    %cond3A_4 = arith.cmpi ne, %convert_element_type3A, %cond3A : i32
    scf.if %cond3A_4 {
      "tpu.region"() ({
        %run_scoped3A = tpu.sem_alloc : memref<!tpu.dma_semaphore, #tpu.memory_space<semaphore_mem>>
        tpu.enqueue_dma source(%arg3 : memref<14x128xf32, #tpu.memory_space<hbm>>) target(%arg5 : memref<14x128xf32, #tpu.memory_space<vmem_shared>>) target_semaphore(%run_scoped3A : memref<!tpu.dma_semaphore, #tpu.memory_space<semaphore_mem>>)
        tpu.wait_dma2 semaphore(%run_scoped3A : memref<!tpu.dma_semaphore, #tpu.memory_space<semaphore_mem>>) src(%arg3 : memref<14x128xf32, #tpu.memory_space<hbm>>) dst(%arg5 : memref<14x128xf32, #tpu.memory_space<vmem_shared>>)
        tpu.yield
      }) : () -> ()
    } else {
    }
    "tpu.region"() ({
      %run_scoped3A = tpu.sem_alloc : memref<!tpu.dma_semaphore, #tpu.memory_space<semaphore_mem>>
      %dma_start3A_55 = tpu.memref_slice %arg2[%mul3A_2] : memref<640000xi32, #tpu.memory_space<hbm>> -> memref<20000xi32, #tpu.memory_space<hbm>>
      %dma_start3A_56 = tpu.memref_slice %arg2[%mul3A_2] : memref<640000xi32, #tpu.memory_space<hbm>> -> memref<20000xi32, #tpu.memory_space<hbm>>
      tpu.enqueue_dma source(%dma_start3A_56 : memref<20000xi32, #tpu.memory_space<hbm>>) target(%arg6 : memref<20000xi32, #tpu.memory_space<vmem>>) target_semaphore(%run_scoped3A : memref<!tpu.dma_semaphore, #tpu.memory_space<semaphore_mem>>)
      %dma_wait3A_57 = tpu.memref_slice %arg2[%mul3A_2] : memref<640000xi32, #tpu.memory_space<hbm>> -> memref<20000xi32, #tpu.memory_space<hbm>>
      %dma_wait3A_58 = tpu.memref_slice %arg2[%mul3A_2] : memref<640000xi32, #tpu.memory_space<hbm>> -> memref<20000xi32, #tpu.memory_space<hbm>>
      tpu.wait_dma2 semaphore(%run_scoped3A : memref<!tpu.dma_semaphore, #tpu.memory_space<semaphore_mem>>) src(%dma_wait3A_58 : memref<20000xi32, #tpu.memory_space<hbm>>) dst(%arg6 : memref<20000xi32, #tpu.memory_space<vmem>>)
      tpu.yield
    }) : () -> ()
    %barrier3A = arith.constant 0 : index
    tpu.barrier barrier_id(%barrier3A)
    %dma_start3A = arith.constant 0 : i32
    %dma_start3A_5 = arith.constant 0 : i32
    %dma_start3A_6 = tpu.memref_slice %arg7[%dma_start3A, %dma_start3A_5] : memref<400x128xf32, #tpu.memory_space<vmem>> -> memref<80x128xf32, #tpu.memory_space<vmem>>
    %dma_start3A_7 = arith.constant 0 : i32
    %dma_start3A_8 = tpu.memref_slice %arg6[%dma_start3A_7] : memref<20000xi32, #tpu.memory_space<vmem>> -> memref<80xi32, #tpu.memory_space<vmem>>
    %dma_start3A_9 = arith.constant 0 : i32
    %dma_start3A_10 = arith.constant 0 : i32
    %dma_start3A_11 = tpu.memref_slice %arg5[%dma_start3A_9, %dma_start3A_10] : memref<14x128xf32, #tpu.memory_space<vmem_shared>> -> memref<14x128xf32, #tpu.memory_space<vmem_shared>>
    tpu.enqueue_indirect_dma source(%dma_start3A_11 : memref<14x128xf32, #tpu.memory_space<vmem_shared>>) target(%dma_start3A_6 : memref<80x128xf32, #tpu.memory_space<vmem>>) offsets(%dma_start3A_8 : memref<80xi32, #tpu.memory_space<vmem>>) semaphore(%arg9 : memref<!tpu.dma_semaphore, #tpu.memory_space<semaphore_mem>>)
    %dma_start3A_12 = arith.constant 80 : i32
    %dma_start3A_13 = arith.constant 0 : i32
    %dma_start3A_14 = tpu.memref_slice %arg7[%dma_start3A_12, %dma_start3A_13] : memref<400x128xf32, #tpu.memory_space<vmem>> -> memref<80x128xf32, #tpu.memory_space<vmem>>
    %dma_start3A_15 = arith.constant 80 : i32
    %dma_start3A_16 = tpu.memref_slice %arg6[%dma_start3A_15] : memref<20000xi32, #tpu.memory_space<vmem>> -> memref<80xi32, #tpu.memory_space<vmem>>
    %dma_start3A_17 = arith.constant 0 : i32
    %dma_start3A_18 = arith.constant 0 : i32
    %dma_start3A_19 = tpu.memref_slice %arg5[%dma_start3A_17, %dma_start3A_18] : memref<14x128xf32, #tpu.memory_space<vmem_shared>> -> memref<14x128xf32, #tpu.memory_space<vmem_shared>>
    tpu.enqueue_indirect_dma source(%dma_start3A_19 : memref<14x128xf32, #tpu.memory_space<vmem_shared>>) target(%dma_start3A_14 : memref<80x128xf32, #tpu.memory_space<vmem>>) offsets(%dma_start3A_16 : memref<80xi32, #tpu.memory_space<vmem>>) semaphore(%arg9 : memref<!tpu.dma_semaphore, #tpu.memory_space<semaphore_mem>>)
    %dma_start3A_20 = arith.constant 160 : i32
    %dma_start3A_21 = arith.constant 0 : i32
    %dma_start3A_22 = tpu.memref_slice %arg7[%dma_start3A_20, %dma_start3A_21] : memref<400x128xf32, #tpu.memory_space<vmem>> -> memref<80x128xf32, #tpu.memory_space<vmem>>
    %dma_start3A_23 = arith.constant 160 : i32
    %dma_start3A_24 = tpu.memref_slice %arg6[%dma_start3A_23] : memref<20000xi32, #tpu.memory_space<vmem>> -> memref<80xi32, #tpu.memory_space<vmem>>
    %dma_start3A_25 = arith.constant 0 : i32
    %dma_start3A_26 = arith.constant 0 : i32
    %dma_start3A_27 = tpu.memref_slice %arg5[%dma_start3A_25, %dma_start3A_26] : memref<14x128xf32, #tpu.memory_space<vmem_shared>> -> memref<14x128xf32, #tpu.memory_space<vmem_shared>>
    tpu.enqueue_indirect_dma source(%dma_start3A_27 : memref<14x128xf32, #tpu.memory_space<vmem_shared>>) target(%dma_start3A_22 : memref<80x128xf32, #tpu.memory_space<vmem>>) offsets(%dma_start3A_24 : memref<80xi32, #tpu.memory_space<vmem>>) semaphore(%arg9 : memref<!tpu.dma_semaphore, #tpu.memory_space<semaphore_mem>>)
    %dma_start3A_28 = arith.constant 240 : i32
    %dma_start3A_29 = arith.constant 0 : i32
    %dma_start3A_30 = tpu.memref_slice %arg7[%dma_start3A_28, %dma_start3A_29] : memref<400x128xf32, #tpu.memory_space<vmem>> -> memref<80x128xf32, #tpu.memory_space<vmem>>
    %dma_start3A_31 = arith.constant 240 : i32
    %dma_start3A_32 = tpu.memref_slice %arg6[%dma_start3A_31] : memref<20000xi32, #tpu.memory_space<vmem>> -> memref<80xi32, #tpu.memory_space<vmem>>
    %dma_start3A_33 = arith.constant 0 : i32
    %dma_start3A_34 = arith.constant 0 : i32
    %dma_start3A_35 = tpu.memref_slice %arg5[%dma_start3A_33, %dma_start3A_34] : memref<14x128xf32, #tpu.memory_space<vmem_shared>> -> memref<14x128xf32, #tpu.memory_space<vmem_shared>>
    tpu.enqueue_indirect_dma source(%dma_start3A_35 : memref<14x128xf32, #tpu.memory_space<vmem_shared>>) target(%dma_start3A_30 : memref<80x128xf32, #tpu.memory_space<vmem>>) offsets(%dma_start3A_32 : memref<80xi32, #tpu.memory_space<vmem>>) semaphore(%arg9 : memref<!tpu.dma_semaphore, #tpu.memory_space<semaphore_mem>>)
    %dma_start3A_36 = arith.constant 320 : i32
    %dma_start3A_37 = arith.constant 0 : i32
    %dma_start3A_38 = tpu.memref_slice %arg7[%dma_start3A_36, %dma_start3A_37] : memref<400x128xf32, #tpu.memory_space<vmem>> -> memref<80x128xf32, #tpu.memory_space<vmem>>
    %dma_start3A_39 = arith.constant 320 : i32
    %dma_start3A_40 = tpu.memref_slice %arg6[%dma_start3A_39] : memref<20000xi32, #tpu.memory_space<vmem>> -> memref<80xi32, #tpu.memory_space<vmem>>
    %dma_start3A_41 = arith.constant 0 : i32
    %dma_start3A_42 = arith.constant 0 : i32
    %dma_start3A_43 = tpu.memref_slice %arg5[%dma_start3A_41, %dma_start3A_42] : memref<14x128xf32, #tpu.memory_space<vmem_shared>> -> memref<14x128xf32, #tpu.memory_space<vmem_shared>>
    tpu.enqueue_indirect_dma source(%dma_start3A_43 : memref<14x128xf32, #tpu.memory_space<vmem_shared>>) target(%dma_start3A_38 : memref<80x128xf32, #tpu.memory_space<vmem>>) offsets(%dma_start3A_40 : memref<80xi32, #tpu.memory_space<vmem>>) semaphore(%arg9 : memref<!tpu.dma_semaphore, #tpu.memory_space<semaphore_mem>>)
    %scan3A = arith.constant 0 : i32
    %scan3A_44 = arith.constant 0 : i32
    %scan3A_45 = arith.constant 25 : i32
    %scan3A_46 = arith.addi %scan3A_44, %scan3A_45 : i32
    %scan3A_47 = arith.constant 1 : i32
    %scan3A_48 = scf.for %scan3A_55 = %scan3A_44 to %scan3A_46 step %scan3A_47 iter_args(%scan3A_56 = %scan3A) -> (i32)  : i32 {
      %mul3A_57 = arith.constant 2 : i32
      %mul3A_58 = arith.muli %mul3A_57, %scan3A_55 : i32
      %mul3A_59 = arith.constant 2 : i32
      %mul3A_60 = arith.muli %mul3A_59, %scan3A_55 : i32
      %add3A_61 = arith.constant 1 : i32
      %add3A_62 = arith.addi %mul3A_60, %add3A_61 : i32
      %mul3A_63 = arith.constant 5 : i32
      %mul3A_64 = arith.muli %mul3A_58, %mul3A_63 : i32
      %add3A_65 = arith.constant 0 : i32
      %add3A_66 = arith.addi %mul3A_64, %add3A_65 : i32
      %mul3A_67 = arith.constant 80 : i32
      %mul3A_68 = arith.muli %add3A_66, %mul3A_67 : i32
      %dma_wait3A_69 = arith.constant 0 : i32
      %dma_wait3A_70 = arith.constant 0 : i32
      %dma_wait3A_71 = tpu.memref_slice %arg7[%dma_wait3A_69, %dma_wait3A_70] : memref<400x128xf32, #tpu.memory_space<vmem>> -> memref<80x128xf32, #tpu.memory_space<vmem>>
      %dma_wait3A_72 = tpu.memref_slice %arg6[%mul3A_68] : memref<20000xi32, #tpu.memory_space<vmem>> -> memref<80xi32, #tpu.memory_space<vmem>>
      %dma_wait3A_73 = arith.constant 0 : i32
      %dma_wait3A_74 = arith.constant 0 : i32
      %dma_wait3A_75 = tpu.memref_slice %arg5[%dma_wait3A_73, %dma_wait3A_74] : memref<14x128xf32, #tpu.memory_space<vmem_shared>> -> memref<14x128xf32, #tpu.memory_space<vmem_shared>>
      tpu.wait_indirect_dma semaphore(%arg9 : memref<!tpu.dma_semaphore, #tpu.memory_space<semaphore_mem>>) src(%dma_wait3A_75 : memref<14x128xf32, #tpu.memory_space<vmem_shared>>) dst(%dma_wait3A_71 : memref<80x128xf32, #tpu.memory_space<vmem>>)
      %mul3A_76 = arith.constant 5 : i32
      %mul3A_77 = arith.muli %mul3A_58, %mul3A_76 : i32
      %add3A_78 = arith.constant 1 : i32
      %add3A_79 = arith.addi %mul3A_77, %add3A_78 : i32
      %mul3A_80 = arith.constant 80 : i32
      %mul3A_81 = arith.muli %add3A_79, %mul3A_80 : i32
      %dma_wait3A_82 = arith.constant 80 : i32
      %dma_wait3A_83 = arith.constant 0 : i32
      %dma_wait3A_84 = tpu.memref_slice %arg7[%dma_wait3A_82, %dma_wait3A_83] : memref<400x128xf32, #tpu.memory_space<vmem>> -> memref<80x128xf32, #tpu.memory_space<vmem>>
      %dma_wait3A_85 = tpu.memref_slice %arg6[%mul3A_81] : memref<20000xi32, #tpu.memory_space<vmem>> -> memref<80xi32, #tpu.memory_space<vmem>>
      %dma_wait3A_86 = arith.constant 0 : i32
      %dma_wait3A_87 = arith.constant 0 : i32
      %dma_wait3A_88 = tpu.memref_slice %arg5[%dma_wait3A_86, %dma_wait3A_87] : memref<14x128xf32, #tpu.memory_space<vmem_shared>> -> memref<14x128xf32, #tpu.memory_space<vmem_shared>>
      tpu.wait_indirect_dma semaphore(%arg9 : memref<!tpu.dma_semaphore, #tpu.memory_space<semaphore_mem>>) src(%dma_wait3A_88 : memref<14x128xf32, #tpu.memory_space<vmem_shared>>) dst(%dma_wait3A_84 : memref<80x128xf32, #tpu.memory_space<vmem>>)
      %mul3A_89 = arith.constant 5 : i32
      %mul3A_90 = arith.muli %mul3A_58, %mul3A_89 : i32
      %add3A_91 = arith.constant 2 : i32
      %add3A_92 = arith.addi %mul3A_90, %add3A_91 : i32
      %mul3A_93 = arith.constant 80 : i32
      %mul3A_94 = arith.muli %add3A_92, %mul3A_93 : i32
      %dma_wait3A_95 = arith.constant 160 : i32
      %dma_wait3A_96 = arith.constant 0 : i32
      %dma_wait3A_97 = tpu.memref_slice %arg7[%dma_wait3A_95, %dma_wait3A_96] : memref<400x128xf32, #tpu.memory_space<vmem>> -> memref<80x128xf32, #tpu.memory_space<vmem>>
      %dma_wait3A_98 = tpu.memref_slice %arg6[%mul3A_94] : memref<20000xi32, #tpu.memory_space<vmem>> -> memref<80xi32, #tpu.memory_space<vmem>>
      %dma_wait3A_99 = arith.constant 0 : i32
      %dma_wait3A_100 = arith.constant 0 : i32
      %dma_wait3A_101 = tpu.memref_slice %arg5[%dma_wait3A_99, %dma_wait3A_100] : memref<14x128xf32, #tpu.memory_space<vmem_shared>> -> memref<14x128xf32, #tpu.memory_space<vmem_shared>>
      tpu.wait_indirect_dma semaphore(%arg9 : memref<!tpu.dma_semaphore, #tpu.memory_space<semaphore_mem>>) src(%dma_wait3A_101 : memref<14x128xf32, #tpu.memory_space<vmem_shared>>) dst(%dma_wait3A_97 : memref<80x128xf32, #tpu.memory_space<vmem>>)
      %mul3A_102 = arith.constant 5 : i32
      %mul3A_103 = arith.muli %mul3A_58, %mul3A_102 : i32
      %add3A_104 = arith.constant 3 : i32
      %add3A_105 = arith.addi %mul3A_103, %add3A_104 : i32
      %mul3A_106 = arith.constant 80 : i32
      %mul3A_107 = arith.muli %add3A_105, %mul3A_106 : i32
      %dma_wait3A_108 = arith.constant 240 : i32
      %dma_wait3A_109 = arith.constant 0 : i32
      %dma_wait3A_110 = tpu.memref_slice %arg7[%dma_wait3A_108, %dma_wait3A_109] : memref<400x128xf32, #tpu.memory_space<vmem>> -> memref<80x128xf32, #tpu.memory_space<vmem>>
      %dma_wait3A_111 = tpu.memref_slice %arg6[%mul3A_107] : memref<20000xi32, #tpu.memory_space<vmem>> -> memref<80xi32, #tpu.memory_space<vmem>>
      %dma_wait3A_112 = arith.constant 0 : i32
      %dma_wait3A_113 = arith.constant 0 : i32
      %dma_wait3A_114 = tpu.memref_slice %arg5[%dma_wait3A_112, %dma_wait3A_113] : memref<14x128xf32, #tpu.memory_space<vmem_shared>> -> memref<14x128xf32, #tpu.memory_space<vmem_shared>>
      tpu.wait_indirect_dma semaphore(%arg9 : memref<!tpu.dma_semaphore, #tpu.memory_space<semaphore_mem>>) src(%dma_wait3A_114 : memref<14x128xf32, #tpu.memory_space<vmem_shared>>) dst(%dma_wait3A_110 : memref<80x128xf32, #tpu.memory_space<vmem>>)
      %mul3A_115 = arith.constant 5 : i32
      %mul3A_116 = arith.muli %mul3A_58, %mul3A_115 : i32
      %add3A_117 = arith.constant 4 : i32
      %add3A_118 = arith.addi %mul3A_116, %add3A_117 : i32
      %mul3A_119 = arith.constant 80 : i32
      %mul3A_120 = arith.muli %add3A_118, %mul3A_119 : i32
      %dma_wait3A_121 = arith.constant 320 : i32
      %dma_wait3A_122 = arith.constant 0 : i32
      %dma_wait3A_123 = tpu.memref_slice %arg7[%dma_wait3A_121, %dma_wait3A_122] : memref<400x128xf32, #tpu.memory_space<vmem>> -> memref<80x128xf32, #tpu.memory_space<vmem>>
      %dma_wait3A_124 = tpu.memref_slice %arg6[%mul3A_120] : memref<20000xi32, #tpu.memory_space<vmem>> -> memref<80xi32, #tpu.memory_space<vmem>>
      %dma_wait3A_125 = arith.constant 0 : i32
      %dma_wait3A_126 = arith.constant 0 : i32
      %dma_wait3A_127 = tpu.memref_slice %arg5[%dma_wait3A_125, %dma_wait3A_126] : memref<14x128xf32, #tpu.memory_space<vmem_shared>> -> memref<14x128xf32, #tpu.memory_space<vmem_shared>>
      tpu.wait_indirect_dma semaphore(%arg9 : memref<!tpu.dma_semaphore, #tpu.memory_space<semaphore_mem>>) src(%dma_wait3A_127 : memref<14x128xf32, #tpu.memory_space<vmem_shared>>) dst(%dma_wait3A_123 : memref<80x128xf32, #tpu.memory_space<vmem>>)
      %mul3A_128 = arith.constant 400 : i32
      %mul3A_129 = arith.muli %mul3A_58, %mul3A_128 : i32
      %add3A_130 = arith.addi %mul3A_2, %mul3A_129 : i32
      %dma_start3A_131 = arith.constant 0 : i32
      %dma_start3A_132 = tpu.memref_slice %arg4[%add3A_130, %dma_start3A_131] : memref<640000x128xf32, #tpu.memory_space<hbm>> -> memref<400x128xf32, #tpu.memory_space<hbm>>
      %dma_start3A_133 = arith.constant 0 : i32
      %dma_start3A_134 = tpu.memref_slice %arg4[%add3A_130, %dma_start3A_133] : memref<640000x128xf32, #tpu.memory_space<hbm>> -> memref<400x128xf32, #tpu.memory_space<hbm>>
      tpu.enqueue_dma source(%arg7 : memref<400x128xf32, #tpu.memory_space<vmem>>) target(%dma_start3A_134 : memref<400x128xf32, #tpu.memory_space<hbm>>) target_semaphore(%arg11 : memref<!tpu.dma_semaphore, #tpu.memory_space<semaphore_mem>>)
      %gt3A = arith.constant 0 : i32
      %gt3A_135 = arith.cmpi sgt, %scan3A_55, %gt3A : i32
      %convert_element_type3A_136 = arith.extui %gt3A_135 : i1 to i32
      %cond3A_137 = arith.constant 0 : i32
      %cond3A_138 = arith.cmpi ne, %convert_element_type3A_136, %cond3A_137 : i32
      scf.if %cond3A_138 {
        %sub3A = arith.constant 2 : i32
        %sub3A_290 = arith.subi %add3A_62, %sub3A : i32
        %mul3A_291 = arith.constant 400 : i32
        %mul3A_292 = arith.muli %sub3A_290, %mul3A_291 : i32
        %add3A_293 = arith.addi %mul3A_2, %mul3A_292 : i32
        %dma_wait3A_294 = arith.constant 0 : i32
        %dma_wait3A_295 = tpu.memref_slice %arg4[%add3A_293, %dma_wait3A_294] : memref<640000x128xf32, #tpu.memory_space<hbm>> -> memref<400x128xf32, #tpu.memory_space<hbm>>
        %dma_wait3A_296 = arith.constant 0 : i32
        %dma_wait3A_297 = tpu.memref_slice %arg4[%add3A_293, %dma_wait3A_296] : memref<640000x128xf32, #tpu.memory_space<hbm>> -> memref<400x128xf32, #tpu.memory_space<hbm>>
        tpu.wait_dma2 semaphore(%arg12 : memref<!tpu.dma_semaphore, #tpu.memory_space<semaphore_mem>>) src(%arg8 : memref<400x128xf32, #tpu.memory_space<vmem>>) dst(%dma_wait3A_297 : memref<400x128xf32, #tpu.memory_space<hbm>>)
      } else {
      }
      %mul3A_139 = arith.constant 5 : i32
      %mul3A_140 = arith.muli %add3A_62, %mul3A_139 : i32
      %add3A_141 = arith.constant 0 : i32
      %add3A_142 = arith.addi %mul3A_140, %add3A_141 : i32
      %mul3A_143 = arith.constant 80 : i32
      %mul3A_144 = arith.muli %add3A_142, %mul3A_143 : i32
      %dma_start3A_145 = arith.constant 0 : i32
      %dma_start3A_146 = arith.constant 0 : i32
      %dma_start3A_147 = tpu.memref_slice %arg8[%dma_start3A_145, %dma_start3A_146] : memref<400x128xf32, #tpu.memory_space<vmem>> -> memref<80x128xf32, #tpu.memory_space<vmem>>
      %dma_start3A_148 = tpu.memref_slice %arg6[%mul3A_144] : memref<20000xi32, #tpu.memory_space<vmem>> -> memref<80xi32, #tpu.memory_space<vmem>>
      %dma_start3A_149 = arith.constant 0 : i32
      %dma_start3A_150 = arith.constant 0 : i32
      %dma_start3A_151 = tpu.memref_slice %arg5[%dma_start3A_149, %dma_start3A_150] : memref<14x128xf32, #tpu.memory_space<vmem_shared>> -> memref<14x128xf32, #tpu.memory_space<vmem_shared>>
      tpu.enqueue_indirect_dma source(%dma_start3A_151 : memref<14x128xf32, #tpu.memory_space<vmem_shared>>) target(%dma_start3A_147 : memref<80x128xf32, #tpu.memory_space<vmem>>) offsets(%dma_start3A_148 : memref<80xi32, #tpu.memory_space<vmem>>) semaphore(%arg10 : memref<!tpu.dma_semaphore, #tpu.memory_space<semaphore_mem>>)
      %mul3A_152 = arith.constant 5 : i32
      %mul3A_153 = arith.muli %add3A_62, %mul3A_152 : i32
      %add3A_154 = arith.constant 1 : i32
      %add3A_155 = arith.addi %mul3A_153, %add3A_154 : i32
      %mul3A_156 = arith.constant 80 : i32
      %mul3A_157 = arith.muli %add3A_155, %mul3A_156 : i32
      %dma_start3A_158 = arith.constant 80 : i32
      %dma_start3A_159 = arith.constant 0 : i32
      %dma_start3A_160 = tpu.memref_slice %arg8[%dma_start3A_158, %dma_start3A_159] : memref<400x128xf32, #tpu.memory_space<vmem>> -> memref<80x128xf32, #tpu.memory_space<vmem>>
      %dma_start3A_161 = tpu.memref_slice %arg6[%mul3A_157] : memref<20000xi32, #tpu.memory_space<vmem>> -> memref<80xi32, #tpu.memory_space<vmem>>
      %dma_start3A_162 = arith.constant 0 : i32
      %dma_start3A_163 = arith.constant 0 : i32
      %dma_start3A_164 = tpu.memref_slice %arg5[%dma_start3A_162, %dma_start3A_163] : memref<14x128xf32, #tpu.memory_space<vmem_shared>> -> memref<14x128xf32, #tpu.memory_space<vmem_shared>>
      tpu.enqueue_indirect_dma source(%dma_start3A_164 : memref<14x128xf32, #tpu.memory_space<vmem_shared>>) target(%dma_start3A_160 : memref<80x128xf32, #tpu.memory_space<vmem>>) offsets(%dma_start3A_161 : memref<80xi32, #tpu.memory_space<vmem>>) semaphore(%arg10 : memref<!tpu.dma_semaphore, #tpu.memory_space<semaphore_mem>>)
      %mul3A_165 = arith.constant 5 : i32
      %mul3A_166 = arith.muli %add3A_62, %mul3A_165 : i32
      %add3A_167 = arith.constant 2 : i32
      %add3A_168 = arith.addi %mul3A_166, %add3A_167 : i32
      %mul3A_169 = arith.constant 80 : i32
      %mul3A_170 = arith.muli %add3A_168, %mul3A_169 : i32
      %dma_start3A_171 = arith.constant 160 : i32
      %dma_start3A_172 = arith.constant 0 : i32
      %dma_start3A_173 = tpu.memref_slice %arg8[%dma_start3A_171, %dma_start3A_172] : memref<400x128xf32, #tpu.memory_space<vmem>> -> memref<80x128xf32, #tpu.memory_space<vmem>>
      %dma_start3A_174 = tpu.memref_slice %arg6[%mul3A_170] : memref<20000xi32, #tpu.memory_space<vmem>> -> memref<80xi32, #tpu.memory_space<vmem>>
      %dma_start3A_175 = arith.constant 0 : i32
      %dma_start3A_176 = arith.constant 0 : i32
      %dma_start3A_177 = tpu.memref_slice %arg5[%dma_start3A_175, %dma_start3A_176] : memref<14x128xf32, #tpu.memory_space<vmem_shared>> -> memref<14x128xf32, #tpu.memory_space<vmem_shared>>
      tpu.enqueue_indirect_dma source(%dma_start3A_177 : memref<14x128xf32, #tpu.memory_space<vmem_shared>>) target(%dma_start3A_173 : memref<80x128xf32, #tpu.memory_space<vmem>>) offsets(%dma_start3A_174 : memref<80xi32, #tpu.memory_space<vmem>>) semaphore(%arg10 : memref<!tpu.dma_semaphore, #tpu.memory_space<semaphore_mem>>)
      %mul3A_178 = arith.constant 5 : i32
      %mul3A_179 = arith.muli %add3A_62, %mul3A_178 : i32
      %add3A_180 = arith.constant 3 : i32
      %add3A_181 = arith.addi %mul3A_179, %add3A_180 : i32
      %mul3A_182 = arith.constant 80 : i32
      %mul3A_183 = arith.muli %add3A_181, %mul3A_182 : i32
      %dma_start3A_184 = arith.constant 240 : i32
      %dma_start3A_185 = arith.constant 0 : i32
      %dma_start3A_186 = tpu.memref_slice %arg8[%dma_start3A_184, %dma_start3A_185] : memref<400x128xf32, #tpu.memory_space<vmem>> -> memref<80x128xf32, #tpu.memory_space<vmem>>
      %dma_start3A_187 = tpu.memref_slice %arg6[%mul3A_183] : memref<20000xi32, #tpu.memory_space<vmem>> -> memref<80xi32, #tpu.memory_space<vmem>>
      %dma_start3A_188 = arith.constant 0 : i32
      %dma_start3A_189 = arith.constant 0 : i32
      %dma_start3A_190 = tpu.memref_slice %arg5[%dma_start3A_188, %dma_start3A_189] : memref<14x128xf32, #tpu.memory_space<vmem_shared>> -> memref<14x128xf32, #tpu.memory_space<vmem_shared>>
      tpu.enqueue_indirect_dma source(%dma_start3A_190 : memref<14x128xf32, #tpu.memory_space<vmem_shared>>) target(%dma_start3A_186 : memref<80x128xf32, #tpu.memory_space<vmem>>) offsets(%dma_start3A_187 : memref<80xi32, #tpu.memory_space<vmem>>) semaphore(%arg10 : memref<!tpu.dma_semaphore, #tpu.memory_space<semaphore_mem>>)
      %mul3A_191 = arith.constant 5 : i32
      %mul3A_192 = arith.muli %add3A_62, %mul3A_191 : i32
      %add3A_193 = arith.constant 4 : i32
      %add3A_194 = arith.addi %mul3A_192, %add3A_193 : i32
      %mul3A_195 = arith.constant 80 : i32
      %mul3A_196 = arith.muli %add3A_194, %mul3A_195 : i32
      %dma_start3A_197 = arith.constant 320 : i32
      %dma_start3A_198 = arith.constant 0 : i32
      %dma_start3A_199 = tpu.memref_slice %arg8[%dma_start3A_197, %dma_start3A_198] : memref<400x128xf32, #tpu.memory_space<vmem>> -> memref<80x128xf32, #tpu.memory_space<vmem>>
      %dma_start3A_200 = tpu.memref_slice %arg6[%mul3A_196] : memref<20000xi32, #tpu.memory_space<vmem>> -> memref<80xi32, #tpu.memory_space<vmem>>
      %dma_start3A_201 = arith.constant 0 : i32
      %dma_start3A_202 = arith.constant 0 : i32
      %dma_start3A_203 = tpu.memref_slice %arg5[%dma_start3A_201, %dma_start3A_202] : memref<14x128xf32, #tpu.memory_space<vmem_shared>> -> memref<14x128xf32, #tpu.memory_space<vmem_shared>>
      tpu.enqueue_indirect_dma source(%dma_start3A_203 : memref<14x128xf32, #tpu.memory_space<vmem_shared>>) target(%dma_start3A_199 : memref<80x128xf32, #tpu.memory_space<vmem>>) offsets(%dma_start3A_200 : memref<80xi32, #tpu.memory_space<vmem>>) semaphore(%arg10 : memref<!tpu.dma_semaphore, #tpu.memory_space<semaphore_mem>>)
      %mul3A_204 = arith.constant 5 : i32
      %mul3A_205 = arith.muli %add3A_62, %mul3A_204 : i32
      %add3A_206 = arith.constant 0 : i32
      %add3A_207 = arith.addi %mul3A_205, %add3A_206 : i32
      %mul3A_208 = arith.constant 80 : i32
      %mul3A_209 = arith.muli %add3A_207, %mul3A_208 : i32
      %dma_wait3A_210 = arith.constant 0 : i32
      %dma_wait3A_211 = arith.constant 0 : i32
      %dma_wait3A_212 = tpu.memref_slice %arg8[%dma_wait3A_210, %dma_wait3A_211] : memref<400x128xf32, #tpu.memory_space<vmem>> -> memref<80x128xf32, #tpu.memory_space<vmem>>
      %dma_wait3A_213 = tpu.memref_slice %arg6[%mul3A_209] : memref<20000xi32, #tpu.memory_space<vmem>> -> memref<80xi32, #tpu.memory_space<vmem>>
      %dma_wait3A_214 = arith.constant 0 : i32
      %dma_wait3A_215 = arith.constant 0 : i32
      %dma_wait3A_216 = tpu.memref_slice %arg5[%dma_wait3A_214, %dma_wait3A_215] : memref<14x128xf32, #tpu.memory_space<vmem_shared>> -> memref<14x128xf32, #tpu.memory_space<vmem_shared>>
      tpu.wait_indirect_dma semaphore(%arg10 : memref<!tpu.dma_semaphore, #tpu.memory_space<semaphore_mem>>) src(%dma_wait3A_216 : memref<14x128xf32, #tpu.memory_space<vmem_shared>>) dst(%dma_wait3A_212 : memref<80x128xf32, #tpu.memory_space<vmem>>)
      %mul3A_217 = arith.constant 5 : i32
      %mul3A_218 = arith.muli %add3A_62, %mul3A_217 : i32
      %add3A_219 = arith.constant 1 : i32
      %add3A_220 = arith.addi %mul3A_218, %add3A_219 : i32
      %mul3A_221 = arith.constant 80 : i32
      %mul3A_222 = arith.muli %add3A_220, %mul3A_221 : i32
      %dma_wait3A_223 = arith.constant 80 : i32
      %dma_wait3A_224 = arith.constant 0 : i32
      %dma_wait3A_225 = tpu.memref_slice %arg8[%dma_wait3A_223, %dma_wait3A_224] : memref<400x128xf32, #tpu.memory_space<vmem>> -> memref<80x128xf32, #tpu.memory_space<vmem>>
      %dma_wait3A_226 = tpu.memref_slice %arg6[%mul3A_222] : memref<20000xi32, #tpu.memory_space<vmem>> -> memref<80xi32, #tpu.memory_space<vmem>>
      %dma_wait3A_227 = arith.constant 0 : i32
      %dma_wait3A_228 = arith.constant 0 : i32
      %dma_wait3A_229 = tpu.memref_slice %arg5[%dma_wait3A_227, %dma_wait3A_228] : memref<14x128xf32, #tpu.memory_space<vmem_shared>> -> memref<14x128xf32, #tpu.memory_space<vmem_shared>>
      tpu.wait_indirect_dma semaphore(%arg10 : memref<!tpu.dma_semaphore, #tpu.memory_space<semaphore_mem>>) src(%dma_wait3A_229 : memref<14x128xf32, #tpu.memory_space<vmem_shared>>) dst(%dma_wait3A_225 : memref<80x128xf32, #tpu.memory_space<vmem>>)
      %mul3A_230 = arith.constant 5 : i32
      %mul3A_231 = arith.muli %add3A_62, %mul3A_230 : i32
      %add3A_232 = arith.constant 2 : i32
      %add3A_233 = arith.addi %mul3A_231, %add3A_232 : i32
      %mul3A_234 = arith.constant 80 : i32
      %mul3A_235 = arith.muli %add3A_233, %mul3A_234 : i32
      %dma_wait3A_236 = arith.constant 160 : i32
      %dma_wait3A_237 = arith.constant 0 : i32
      %dma_wait3A_238 = tpu.memref_slice %arg8[%dma_wait3A_236, %dma_wait3A_237] : memref<400x128xf32, #tpu.memory_space<vmem>> -> memref<80x128xf32, #tpu.memory_space<vmem>>
      %dma_wait3A_239 = tpu.memref_slice %arg6[%mul3A_235] : memref<20000xi32, #tpu.memory_space<vmem>> -> memref<80xi32, #tpu.memory_space<vmem>>
      %dma_wait3A_240 = arith.constant 0 : i32
      %dma_wait3A_241 = arith.constant 0 : i32
      %dma_wait3A_242 = tpu.memref_slice %arg5[%dma_wait3A_240, %dma_wait3A_241] : memref<14x128xf32, #tpu.memory_space<vmem_shared>> -> memref<14x128xf32, #tpu.memory_space<vmem_shared>>
      tpu.wait_indirect_dma semaphore(%arg10 : memref<!tpu.dma_semaphore, #tpu.memory_space<semaphore_mem>>) src(%dma_wait3A_242 : memref<14x128xf32, #tpu.memory_space<vmem_shared>>) dst(%dma_wait3A_238 : memref<80x128xf32, #tpu.memory_space<vmem>>)
      %mul3A_243 = arith.constant 5 : i32
      %mul3A_244 = arith.muli %add3A_62, %mul3A_243 : i32
      %add3A_245 = arith.constant 3 : i32
      %add3A_246 = arith.addi %mul3A_244, %add3A_245 : i32
      %mul3A_247 = arith.constant 80 : i32
      %mul3A_248 = arith.muli %add3A_246, %mul3A_247 : i32
      %dma_wait3A_249 = arith.constant 240 : i32
      %dma_wait3A_250 = arith.constant 0 : i32
      %dma_wait3A_251 = tpu.memref_slice %arg8[%dma_wait3A_249, %dma_wait3A_250] : memref<400x128xf32, #tpu.memory_space<vmem>> -> memref<80x128xf32, #tpu.memory_space<vmem>>
      %dma_wait3A_252 = tpu.memref_slice %arg6[%mul3A_248] : memref<20000xi32, #tpu.memory_space<vmem>> -> memref<80xi32, #tpu.memory_space<vmem>>
      %dma_wait3A_253 = arith.constant 0 : i32
      %dma_wait3A_254 = arith.constant 0 : i32
      %dma_wait3A_255 = tpu.memref_slice %arg5[%dma_wait3A_253, %dma_wait3A_254] : memref<14x128xf32, #tpu.memory_space<vmem_shared>> -> memref<14x128xf32, #tpu.memory_space<vmem_shared>>
      tpu.wait_indirect_dma semaphore(%arg10 : memref<!tpu.dma_semaphore, #tpu.memory_space<semaphore_mem>>) src(%dma_wait3A_255 : memref<14x128xf32, #tpu.memory_space<vmem_shared>>) dst(%dma_wait3A_251 : memref<80x128xf32, #tpu.memory_space<vmem>>)
      %mul3A_256 = arith.constant 5 : i32
      %mul3A_257 = arith.muli %add3A_62, %mul3A_256 : i32
      %add3A_258 = arith.constant 4 : i32
      %add3A_259 = arith.addi %mul3A_257, %add3A_258 : i32
      %mul3A_260 = arith.constant 80 : i32
      %mul3A_261 = arith.muli %add3A_259, %mul3A_260 : i32
      %dma_wait3A_262 = arith.constant 320 : i32
      %dma_wait3A_263 = arith.constant 0 : i32
      %dma_wait3A_264 = tpu.memref_slice %arg8[%dma_wait3A_262, %dma_wait3A_263] : memref<400x128xf32, #tpu.memory_space<vmem>> -> memref<80x128xf32, #tpu.memory_space<vmem>>
      %dma_wait3A_265 = tpu.memref_slice %arg6[%mul3A_261] : memref<20000xi32, #tpu.memory_space<vmem>> -> memref<80xi32, #tpu.memory_space<vmem>>
      %dma_wait3A_266 = arith.constant 0 : i32
      %dma_wait3A_267 = arith.constant 0 : i32
      %dma_wait3A_268 = tpu.memref_slice %arg5[%dma_wait3A_266, %dma_wait3A_267] : memref<14x128xf32, #tpu.memory_space<vmem_shared>> -> memref<14x128xf32, #tpu.memory_space<vmem_shared>>
      tpu.wait_indirect_dma semaphore(%arg10 : memref<!tpu.dma_semaphore, #tpu.memory_space<semaphore_mem>>) src(%dma_wait3A_268 : memref<14x128xf32, #tpu.memory_space<vmem_shared>>) dst(%dma_wait3A_264 : memref<80x128xf32, #tpu.memory_space<vmem>>)
      %mul3A_269 = arith.constant 400 : i32
      %mul3A_270 = arith.muli %add3A_62, %mul3A_269 : i32
      %add3A_271 = arith.addi %mul3A_2, %mul3A_270 : i32
      %dma_start3A_272 = arith.constant 0 : i32
      %dma_start3A_273 = tpu.memref_slice %arg4[%add3A_271, %dma_start3A_272] : memref<640000x128xf32, #tpu.memory_space<hbm>> -> memref<400x128xf32, #tpu.memory_space<hbm>>
      %dma_start3A_274 = arith.constant 0 : i32
      %dma_start3A_275 = tpu.memref_slice %arg4[%add3A_271, %dma_start3A_274] : memref<640000x128xf32, #tpu.memory_space<hbm>> -> memref<400x128xf32, #tpu.memory_space<hbm>>
      tpu.enqueue_dma source(%arg8 : memref<400x128xf32, #tpu.memory_space<vmem>>) target(%dma_start3A_275 : memref<400x128xf32, #tpu.memory_space<hbm>>) target_semaphore(%arg12 : memref<!tpu.dma_semaphore, #tpu.memory_space<semaphore_mem>>)
      %mul3A_276 = arith.constant 400 : i32
      %mul3A_277 = arith.muli %mul3A_58, %mul3A_276 : i32
      %add3A_278 = arith.addi %mul3A_2, %mul3A_277 : i32
      %dma_wait3A_279 = arith.constant 0 : i32
      %dma_wait3A_280 = tpu.memref_slice %arg4[%add3A_278, %dma_wait3A_279] : memref<640000x128xf32, #tpu.memory_space<hbm>> -> memref<400x128xf32, #tpu.memory_space<hbm>>
      %dma_wait3A_281 = arith.constant 0 : i32
      %dma_wait3A_282 = tpu.memref_slice %arg4[%add3A_278, %dma_wait3A_281] : memref<640000x128xf32, #tpu.memory_space<hbm>> -> memref<400x128xf32, #tpu.memory_space<hbm>>
      tpu.wait_dma2 semaphore(%arg11 : memref<!tpu.dma_semaphore, #tpu.memory_space<semaphore_mem>>) src(%arg7 : memref<400x128xf32, #tpu.memory_space<vmem>>) dst(%dma_wait3A_282 : memref<400x128xf32, #tpu.memory_space<hbm>>)
      %add3A_283 = arith.constant 2 : i32
      %add3A_284 = arith.addi %mul3A_58, %add3A_283 : i32
      %lt3A = arith.constant 50 : i32
      %lt3A_285 = arith.cmpi slt, %add3A_284, %lt3A : i32
      %convert_element_type3A_286 = arith.extui %lt3A_285 : i1 to i32
      %cond3A_287 = arith.constant 0 : i32
      %cond3A_288 = arith.cmpi ne, %convert_element_type3A_286, %cond3A_287 : i32
      scf.if %cond3A_288 {
        %add3A_290 = arith.constant 2 : i32
        %add3A_291 = arith.addi %mul3A_58, %add3A_290 : i32
        %mul3A_292 = arith.constant 5 : i32
        %mul3A_293 = arith.muli %add3A_291, %mul3A_292 : i32
        %add3A_294 = arith.constant 0 : i32
        %add3A_295 = arith.addi %mul3A_293, %add3A_294 : i32
        %mul3A_296 = arith.constant 80 : i32
        %mul3A_297 = arith.muli %add3A_295, %mul3A_296 : i32
        %dma_start3A_298 = arith.constant 0 : i32
        %dma_start3A_299 = arith.constant 0 : i32
        %dma_start3A_300 = tpu.memref_slice %arg7[%dma_start3A_298, %dma_start3A_299] : memref<400x128xf32, #tpu.memory_space<vmem>> -> memref<80x128xf32, #tpu.memory_space<vmem>>
        %dma_start3A_301 = tpu.memref_slice %arg6[%mul3A_297] : memref<20000xi32, #tpu.memory_space<vmem>> -> memref<80xi32, #tpu.memory_space<vmem>>
        %dma_start3A_302 = arith.constant 0 : i32
        %dma_start3A_303 = arith.constant 0 : i32
        %dma_start3A_304 = tpu.memref_slice %arg5[%dma_start3A_302, %dma_start3A_303] : memref<14x128xf32, #tpu.memory_space<vmem_shared>> -> memref<14x128xf32, #tpu.memory_space<vmem_shared>>
        tpu.enqueue_indirect_dma source(%dma_start3A_304 : memref<14x128xf32, #tpu.memory_space<vmem_shared>>) target(%dma_start3A_300 : memref<80x128xf32, #tpu.memory_space<vmem>>) offsets(%dma_start3A_301 : memref<80xi32, #tpu.memory_space<vmem>>) semaphore(%arg9 : memref<!tpu.dma_semaphore, #tpu.memory_space<semaphore_mem>>)
        %mul3A_305 = arith.constant 5 : i32
        %mul3A_306 = arith.muli %add3A_291, %mul3A_305 : i32
        %add3A_307 = arith.constant 1 : i32
        %add3A_308 = arith.addi %mul3A_306, %add3A_307 : i32
        %mul3A_309 = arith.constant 80 : i32
        %mul3A_310 = arith.muli %add3A_308, %mul3A_309 : i32
        %dma_start3A_311 = arith.constant 80 : i32
        %dma_start3A_312 = arith.constant 0 : i32
        %dma_start3A_313 = tpu.memref_slice %arg7[%dma_start3A_311, %dma_start3A_312] : memref<400x128xf32, #tpu.memory_space<vmem>> -> memref<80x128xf32, #tpu.memory_space<vmem>>
        %dma_start3A_314 = tpu.memref_slice %arg6[%mul3A_310] : memref<20000xi32, #tpu.memory_space<vmem>> -> memref<80xi32, #tpu.memory_space<vmem>>
        %dma_start3A_315 = arith.constant 0 : i32
        %dma_start3A_316 = arith.constant 0 : i32
        %dma_start3A_317 = tpu.memref_slice %arg5[%dma_start3A_315, %dma_start3A_316] : memref<14x128xf32, #tpu.memory_space<vmem_shared>> -> memref<14x128xf32, #tpu.memory_space<vmem_shared>>
        tpu.enqueue_indirect_dma source(%dma_start3A_317 : memref<14x128xf32, #tpu.memory_space<vmem_shared>>) target(%dma_start3A_313 : memref<80x128xf32, #tpu.memory_space<vmem>>) offsets(%dma_start3A_314 : memref<80xi32, #tpu.memory_space<vmem>>) semaphore(%arg9 : memref<!tpu.dma_semaphore, #tpu.memory_space<semaphore_mem>>)
        %mul3A_318 = arith.constant 5 : i32
        %mul3A_319 = arith.muli %add3A_291, %mul3A_318 : i32
        %add3A_320 = arith.constant 2 : i32
        %add3A_321 = arith.addi %mul3A_319, %add3A_320 : i32
        %mul3A_322 = arith.constant 80 : i32
        %mul3A_323 = arith.muli %add3A_321, %mul3A_322 : i32
        %dma_start3A_324 = arith.constant 160 : i32
        %dma_start3A_325 = arith.constant 0 : i32
        %dma_start3A_326 = tpu.memref_slice %arg7[%dma_start3A_324, %dma_start3A_325] : memref<400x128xf32, #tpu.memory_space<vmem>> -> memref<80x128xf32, #tpu.memory_space<vmem>>
        %dma_start3A_327 = tpu.memref_slice %arg6[%mul3A_323] : memref<20000xi32, #tpu.memory_space<vmem>> -> memref<80xi32, #tpu.memory_space<vmem>>
        %dma_start3A_328 = arith.constant 0 : i32
        %dma_start3A_329 = arith.constant 0 : i32
        %dma_start3A_330 = tpu.memref_slice %arg5[%dma_start3A_328, %dma_start3A_329] : memref<14x128xf32, #tpu.memory_space<vmem_shared>> -> memref<14x128xf32, #tpu.memory_space<vmem_shared>>
        tpu.enqueue_indirect_dma source(%dma_start3A_330 : memref<14x128xf32, #tpu.memory_space<vmem_shared>>) target(%dma_start3A_326 : memref<80x128xf32, #tpu.memory_space<vmem>>) offsets(%dma_start3A_327 : memref<80xi32, #tpu.memory_space<vmem>>) semaphore(%arg9 : memref<!tpu.dma_semaphore, #tpu.memory_space<semaphore_mem>>)
        %mul3A_331 = arith.constant 5 : i32
        %mul3A_332 = arith.muli %add3A_291, %mul3A_331 : i32
        %add3A_333 = arith.constant 3 : i32
        %add3A_334 = arith.addi %mul3A_332, %add3A_333 : i32
        %mul3A_335 = arith.constant 80 : i32
        %mul3A_336 = arith.muli %add3A_334, %mul3A_335 : i32
        %dma_start3A_337 = arith.constant 240 : i32
        %dma_start3A_338 = arith.constant 0 : i32
        %dma_start3A_339 = tpu.memref_slice %arg7[%dma_start3A_337, %dma_start3A_338] : memref<400x128xf32, #tpu.memory_space<vmem>> -> memref<80x128xf32, #tpu.memory_space<vmem>>
        %dma_start3A_340 = tpu.memref_slice %arg6[%mul3A_336] : memref<20000xi32, #tpu.memory_space<vmem>> -> memref<80xi32, #tpu.memory_space<vmem>>
        %dma_start3A_341 = arith.constant 0 : i32
        %dma_start3A_342 = arith.constant 0 : i32
        %dma_start3A_343 = tpu.memref_slice %arg5[%dma_start3A_341, %dma_start3A_342] : memref<14x128xf32, #tpu.memory_space<vmem_shared>> -> memref<14x128xf32, #tpu.memory_space<vmem_shared>>
        tpu.enqueue_indirect_dma source(%dma_start3A_343 : memref<14x128xf32, #tpu.memory_space<vmem_shared>>) target(%dma_start3A_339 : memref<80x128xf32, #tpu.memory_space<vmem>>) offsets(%dma_start3A_340 : memref<80xi32, #tpu.memory_space<vmem>>) semaphore(%arg9 : memref<!tpu.dma_semaphore, #tpu.memory_space<semaphore_mem>>)
        %mul3A_344 = arith.constant 5 : i32
        %mul3A_345 = arith.muli %add3A_291, %mul3A_344 : i32
        %add3A_346 = arith.constant 4 : i32
        %add3A_347 = arith.addi %mul3A_345, %add3A_346 : i32
        %mul3A_348 = arith.constant 80 : i32
        %mul3A_349 = arith.muli %add3A_347, %mul3A_348 : i32
        %dma_start3A_350 = arith.constant 320 : i32
        %dma_start3A_351 = arith.constant 0 : i32
        %dma_start3A_352 = tpu.memref_slice %arg7[%dma_start3A_350, %dma_start3A_351] : memref<400x128xf32, #tpu.memory_space<vmem>> -> memref<80x128xf32, #tpu.memory_space<vmem>>
        %dma_start3A_353 = tpu.memref_slice %arg6[%mul3A_349] : memref<20000xi32, #tpu.memory_space<vmem>> -> memref<80xi32, #tpu.memory_space<vmem>>
        %dma_start3A_354 = arith.constant 0 : i32
        %dma_start3A_355 = arith.constant 0 : i32
        %dma_start3A_356 = tpu.memref_slice %arg5[%dma_start3A_354, %dma_start3A_355] : memref<14x128xf32, #tpu.memory_space<vmem_shared>> -> memref<14x128xf32, #tpu.memory_space<vmem_shared>>
        tpu.enqueue_indirect_dma source(%dma_start3A_356 : memref<14x128xf32, #tpu.memory_space<vmem_shared>>) target(%dma_start3A_352 : memref<80x128xf32, #tpu.memory_space<vmem>>) offsets(%dma_start3A_353 : memref<80xi32, #tpu.memory_space<vmem>>) semaphore(%arg9 : memref<!tpu.dma_semaphore, #tpu.memory_space<semaphore_mem>>)
      } else {
      }
      %scan3A_289 = arith.constant 0 : i32
      scf.yield %scan3A_289 : i32
    }
    %scan3A_49 = arith.constant 25 : i32
    %add3A_50 = arith.constant 19600 : i32
    %add3A_51 = arith.addi %mul3A_2, %add3A_50 : i32
    %dma_wait3A = arith.constant 0 : i32
    %dma_wait3A_52 = tpu.memref_slice %arg4[%add3A_51, %dma_wait3A] : memref<640000x128xf32, #tpu.memory_space<hbm>> -> memref<400x128xf32, #tpu.memory_space<hbm>>
    %dma_wait3A_53 = arith.constant 0 : i32
    %dma_wait3A_54 = tpu.memref_slice %arg4[%add3A_51, %dma_wait3A_53] : memref<640000x128xf32, #tpu.memory_space<hbm>> -> memref<400x128xf32, #tpu.memory_space<hbm>>
    tpu.wait_dma2 semaphore(%arg12 : memref<!tpu.dma_semaphore, #tpu.memory_space<semaphore_mem>>) src(%arg8 : memref<400x128xf32, #tpu.memory_space<vmem>>) dst(%dma_wait3A_54 : memref<400x128xf32, #tpu.memory_space<hbm>>)
    return
  }
}

</mosaic_0001>

<sc_bundles>
// kernel: _sc_lookup.3.cloned.1.call-start
scs
__scs_entry_jumppad:
0x0: {  	(pc) =	sbr.rel $0x88, $3  }
0x1: {  	(tag) =	ssettag $0x0;
	lr =	simm.s32 $0x1  }
0x2: {  	[smem:$0x3F9F] =	sst lr;
	_ =	strace $0xD0000000  }
0x3: {  	_ = 	snop  }
0x4: {  	_ = 	snop  }
0x5: {  	_ = 	snop  }
0x6: {  	_ = 	snop  }
0x7: {  	_ = 	snop  }
__scs_overlays_trampoline_lowered:
0x8: {  	[smem:$0x3FAE] =	sst s0  }
0x9: {  	[smem:$0x3FAF] =	sst s1  }
0xa: {  	[smem:$0x3FB0] =	sst s2  }
0xb: {  	[smem:$0x3FB1] =	sst s3  }
0xc: {  	[smem:$0x3FB2] =	sst s4  }
0xd: {  	[smem:$0x3FB3] =	sst s5  }
0xe: {  	[smem:$0x3FB4] =	sst s6  }
0xf: {  	[smem:$0x3FB5] =	sst s7  }
0x10: {  	[smem:$0x3FB6] =	sst s8  }
0x11: {  	[smem:$0x3FB7] =	sst s9;
	s0 =	simm.s32 @!p0 $0x0  }
0x12: {  	s1 =	sld [smem:$0x3F9D];
	s0 =	simm.s32 @p0 $0x1  }
0x13: {  	[smem:$0x3FB8] =	sst s0;
	s0 =	simm.s32 @!p1 $0x0  }
0x14: {  	s2 =	sld [smem:$0x3F9C];
	s0 =	simm.s32 @p1 $0x1  }
0x15: {  	[smem:$0x3FB9] =	sst s0;
	s0 =	simm.s32 @!p2 $0x0  }
0x16: {  	s3 =	sld [smem:$0x3FDB];
	s0 =	simm.s32 @p2 $0x1  }
0x17: {  	s4 =	simm.s32 $0x1BF5;
	[smem:$0x3FBB] =	sst s0  }
0x18: {  	s0 =	sld [smem:$0x3F9E];
	_ =	swait.ge [sflag:s4], $0x0  }
0x19: {  	s7 =	sld [smem:$0x3F9F]  }
0x1a: {  	s8 =	sadd.s32 $0xFFFFE003, lr  }
0x1b: {  	s9 =	sadd.s32 $0xFFFFFEF7, lr;
	s5 =	simm.s32 $0xFFFFFFFF;
	p2 =	slt.u32 s8, $0xFFFFF086  }
0x1c: {  	p1 =	slt.u32 s9, $0xF7A;
	s5 =	simm.s32 @!p2 $0x0  }
0x1d: {  	s5 =	simm.s32 @p1 $0x1;
	p0 =	seq.s32 s7, s2  }
0x1e: {  	s7 =	smul.u32 @!p0 $0xF7A, s2;
	p2 =	seq.s32 @!p0 s5, $0x0  }
0x1f: {  	s9 =	smul.u32 $0xF7A, s1;
	s8 =	simm.s32 @!p0 $0x1BF5;
	p2 =	por !p2, p0  }
0x20: {  	[sflag:s8] =	ssyncset.s32 @!p0 $0xFFFFF086;
	s6 =	sadd.s32 @!p0 s3, s7;
	s7 =	simm.s32 @!p0 $0x108  }
0x21: {  	s3 =	sadd.s32 s3, s9;
	s6 =	sadd.s32 @!p0 $0x88, s6;
	s7 =	simm.s32 @p2 $0x1082  }
0x22: {  	[simem:s7], [sflag:s8] =	dma.local @!p0 [hbm:s6], $0xF7A  }
0x23: {  	s9 =	sor.u32 $0xD0000000, s2;
	s6 =	simm.s32 $0x108;
	_ =	swait.ge @!p0 [sflag:s8], $0x0  }
0x24: {  	s3 =	sadd.s32 $0x88, s3;
	s6 =	simm.s32 @!p1 $0x1082;
	[sflag:s4] =	ssyncset.s32 $0xFFFFF086  }
0x25: {  	[simem:s6], [sflag:s4] =	dma.local [hbm:s3], $0xF7A  }
0x26: {  	[smem:$0x3F9F] =	sst s1;
	(tag) =	ssettag s2;
	_ =	strace s9  }
0x27: {  	s1 =	sld [smem:$0x3FAF]  }
0x28: {  	s2 =	sld [smem:$0x3FB0]  }
0x29: {  	s4 =	sld [smem:$0x3FB2]  }
0x2a: {  	p0 =	seq.s32 s5, $0x0;
	s5 =	sld [smem:$0x3FB3]  }
0x2b: {  	s6 =	sld [smem:$0x3FB4]  }
0x2c: {  	s7 =	sld [smem:$0x3FB5]  }
0x2d: {  	s3 =	simm.s32 $0x108;
	s8 =	sld [smem:$0x3FB6]  }
0x2e: {  	s3 =	simm.s32 @!p0 $0x1082;
	s9 =	sld [smem:$0x3FB7]  }
0x2f: {  	lr =	sadd.s32 s0, s3;
	s0 =	sld [smem:$0x3FAE]  }
0x30: {  	s3 =	sld [smem:$0x3FB1]  }
0x31: {  	[smem:$0x3FBA] =	sst s10  }
0x32: {  	s10 =	sld [smem:$0x3FB8];
	_ =	sdelay $0x3  }
0x33: {  	p0 =	seq.s32 s10, $0x1;
	s10 =	sld [smem:$0x3FBA];
	_ =	sdelay $0x3  }
0x34: {  	[smem:$0x3FBA] =	sst s10  }
0x35: {  	s10 =	sld [smem:$0x3FB9];
	_ =	sdelay $0x3  }
0x36: {  	p1 =	seq.s32 s10, $0x1;
	s10 =	sld [smem:$0x3FBA];
	_ =	sdelay $0x3  }
0x37: {  	[smem:$0x3FBA] =	sst s10  }
0x38: {  	s10 =	sld [smem:$0x3FBB]  }
0x39: {  	_ = 	snop;
	(pc) =	sbr.ind lr, $3  }
0x3a: {  	_ = 	snop  }
0x3b: {  	_ = 	snop  }
0x3c: {  	p2 =	seq.s32 s10, $0x1;
	s10 =	sld [smem:$0x3FBA]  }
0x3d: {  	_ =	shalt  }
0x3e: {  	_ =	shalt  }
0x3f: {  	_ =	shalt  }
0x40: {  	_ =	shalt  }
0x41: {  	_ =	shalt  }
0x42: {  	_ =	shalt  }
0x43: {  	_ =	shalt  }
0x44: {  	_ =	shalt  }
0x45: {  	_ =	shalt  }
0x46: {  	_ =	shalt  }
0x47: {  	_ =	shalt  }
0x48: {  	_ =	shalt  }
0x49: {  	_ =	shalt  }
0x4a: {  	_ =	shalt  }
0x4b: {  	_ =	shalt  }
0x4c: {  	_ =	shalt  }
0x4d: {  	_ =	shalt  }
0x4e: {  	_ =	shalt  }
0x4f: {  	_ =	shalt  }
0x50: {  	_ =	shalt  }
0x51: {  	_ =	shalt  }
0x52: {  	_ =	shalt  }
0x53: {  	_ =	shalt  }
0x54: {  	_ =	shalt  }
0x55: {  	_ =	shalt  }
0x56: {  	_ =	shalt  }
0x57: {  	_ =	shalt  }
0x58: {  	_ =	shalt  }
0x59: {  	_ =	shalt  }
0x5a: {  	_ =	shalt  }
0x5b: {  	_ =	shalt  }
0x5c: {  	_ =	shalt  }
0x5d: {  	_ =	shalt  }
0x5e: {  	_ =	shalt  }
0x5f: {  	_ =	shalt  }
0x60: {  	_ =	shalt  }
0x61: {  	_ =	shalt  }
0x62: {  	_ =	shalt  }
0x63: {  	_ =	shalt  }
0x64: {  	_ =	shalt  }
0x65: {  	_ =	shalt  }
0x66: {  	_ =	shalt  }
0x67: {  	_ =	shalt  }
0x68: {  	_ =	shalt  }
0x69: {  	_ =	shalt  }
0x6a: {  	_ =	shalt  }
0x6b: {  	_ =	shalt  }
0x6c: {  	_ =	shalt  }
0x6d: {  	_ =	shalt  }
0x6e: {  	_ =	shalt  }
0x6f: {  	_ =	shalt  }
0x70: {  	_ =	shalt  }
0x71: {  	_ =	shalt  }
0x72: {  	_ =	shalt  }
0x73: {  	_ =	shalt  }
0x74: {  	_ =	shalt  }
0x75: {  	_ =	shalt  }
0x76: {  	_ =	shalt  }
0x77: {  	_ =	shalt  }
0x78: {  	_ =	shalt  }
0x79: {  	_ =	shalt  }
0x7a: {  	_ =	shalt  }
0x7b: {  	_ =	shalt  }
0x7c: {  	_ =	shalt  }
0x7d: {  	_ =	shalt  }
0x7e: {  	_ =	shalt  }
0x7f: {  	_ =	shalt  }
0x80: {  	_ =	shalt  }
0x81: {  	_ =	shalt  }
0x82: {  	_ =	shalt  }
0x83: {  	_ =	shalt  }
0x84: {  	_ =	shalt  }
0x85: {  	_ =	shalt  }
0x86: {  	_ =	shalt  }
0x87: {  	_ =	shalt  }
.Lfunc_end0:
.L_simem_size_0:
called_computation_lowered:
.L_overlay_start_0:
0x88: {  	s2 =	sld [smem:$0x3FD9]  }
0x89: {  	s3 =	sld [smem:$0x3FFE];
	_ =	sdelay $0x1  }
0x8a: {  	s1 =	srdreg.scid  }
0x8b: {  	s0 =	sand.u32 $0x1, s1  }
0x8c: {  	s18 =	sshll.u32 s0, $0xA;
	s2 =	sadd.s32 s3, s2  }
0x8d: {  	s2 =	sadd.s32 s2, s18  }
0x8e: {  	[smem:$0x3FC6] =	sst s2  }
0x8f: {  	_ = 	snop  }
0x90: {  	s2 =	sld [smem:$0x3FC9]  }
0x91: {  	s19 =	sld [smem:$0x3FC8]  }
0x92: {  	s4 =	sld [smem:$0x3FD0];
	(tm) =	ssettm $0x1  }
0x93: {  	s5 =	sld [smem:$0x3FFB];
	_ =	sdelay $0x3  }
0x94: {  	_ =	strace s5  }
0x95: {  	s5 =	sld [smem:$0x3FFC];
	_ =	sdelay $0x3  }
0x96: {  	_ =	strace s5  }
0x97: {  	s5 =	sld [smem:$0x3FFD];
	_ =	sdelay $0x3  }
0x98: {  	_ =	strace s5  }
0x99: {  	_ =	strace $0x8FFFFFFF  }
0x9a: {  	s20 =	sld [smem:$0x3FDB];
	_ =	sdelay $0x1  }
0x9b: {  	s6 =	simm.s32 $_scs_section_size  }
0x9c: {  	s7 =	simm.s32 $_size__tile_overlayer_lowered;
	s8 =	simm.s32 $_tile_overlayer_lowered  }
0x9d: {  	s23 =	simm.s32 $0x1BFF;
	s22 =	sshll.u32 s8, $0x1;
	s5 =	sadd.s32 s6, s20  }
0x9e: {  	s9 =	simm.s32 $0x0;
	s21 =	sshll.u32 s7, $0x1;
	s7 =	sadd.s32 s22, s5  }
0x9f: {  	[timem:s9], [sflag:s23] =	dma.local [hbm:s7], s21  }
0xa0: {  	_ =	swait.ge [sflag:s23], s21  }
0xa1: {  	s6 =	ssub.s32 $0x0, s21;
	[sflag:s23] =	ssyncset.done $0x0  }
0xa2: {  	[sflag:s23] =	ssyncadd.s32 s6;
	_ =	sdelay $0x1  }
0xa3: {  	s24 =	simm.s32 $0x1B8B  }
0xa4: {  	_ =	swait.ge [sflag:s24], $0x1  }
0xa5: {  	[sflag:s24] =	ssyncset.done $0x0  }
0xa6: {  	s25 =	simm.s32 $0x1B8E;
	[sflag:s24] =	ssyncadd.s32 $0xFFFFFFFF  }
0xa7: {  	s26 =	simm.s32 $execute0_lowered;
	[smem:$0x3FD2] =	sst s25  }
0xa8: {  	s6 =	sshll.u32 s26, $0x1;
	_ =	strace $0x80000046;
	[dreg:$0x1] =	wrdreg $0xFFFFFFFF  }
0xa9: {  	s28 =	simm.s32 $_size_execute0_lowered;
	s5 =	sadd.s32 s5, s6;
	[dreg:$0x0] =	wrdreg $0x0  }
0xaa: {  	s6 =	sshll.u32 s28, $0x1;
	[dreg:$0x2] =	wrdreg s5  }
0xab: {  	[dreg:$0x3] =	wrdreg s6  }
0xac: {  	[dreg:$0x4] =	wrdreg $0xC0  }
0xad: {  	_ =	task [dreg:s9], $0x5FFFF  }
0xae: {  	[dreg:$0x1] =	wrdreg $0xFFFFFFFF  }
0xaf: {  	[dreg:$0x0] =	wrdreg $0x60  }
0xb0: {  	[dreg:$0x2] =	wrdreg s2  }
0xb1: {  	[dreg:$0x3] =	wrdreg s19  }
0xb2: {  	[dreg:$0x4] =	wrdreg s4  }
0xb3: {  	[dreg:$0x5] =	wrdreg $0x0  }
0xb4: {  	[dreg:$0x6] =	wrdreg $0x9  }
0xb5: {  	_ =	task.clear_ibuf [dreg:s9], $0x7FFFF;
	_ =	strace $0x90000046  }
0xb6: {  	s29 =	simm.s32 $0x9;
	_ =	strace $0x80000048  }
0xb7: {  	_ =	swait.ge [sflag:s29], $0x1  }
0xb8: {  	[sflag:s29] =	ssyncadd.s32 $0xFFFFFFFF  }
0xb9: {  	_ =	strace $0x90000048  }
0xba: {  	_ =	sfence  }
0xbb: {  	s30 =	sld [smem:$0x0];
	_ =	sdelay $0x2  }
0xbc: {  	s31 =	sshll.u32 s1, $0xD;
	s1 =	sshrl.u32 s1, $0x2  }
0xbd: {  	s3 =	sand.u32 $0x4000, s31;
	s1 =	sadd.s32 s1, s30  }
0xbe: {  	s0 =	sor.u32 s3, s0;
	s1 =	sshll.u32 s1, $0x11  }
0xbf: {  	s0 =	sor.u32 s1, s0  }
0xc0: {  	s0 =	sadd.s32 $0x8F2B, s0  }
0xc1: {  	[sflag:s0] =	ssyncadd.remote.s32 $0x1  }
0xc2: {  	_ =	sfence.sel $0xFFFF  }
0xc3: {  	[dreg:$0x0] =	wrdreg $0xFFFFFFFF;
	(pc) =	sbr.abs _section_cstart, $3  }
0xc4: {  	[dreg:$0x1] =	wrdreg $0xFFFFFFFF  }
0xc5: {  	_ =	task.clear_ibuf [dreg:s9], $0x2FFFF;
	_ =	strace $0x9FFFFFFF  }
0xc6: {  	(tm) =	ssettm $0x7FFFFFFF  }
0xc7: {  	_ =	shalt  }
tec
execute0_lowered:
.L_overlay_start_1:
0x0: {  	(tag) =	ssettag $0x1  }
0x1: {  	s0 =	rddreg [dreg:$0x0]  }
0x2: {  	s1 =	srdreg.scid;
	s6 =	rddreg [dreg:$0x2]  }
0x3: {  	s8 =	stileid.u32;
	s2 =	rddreg [dreg:$0x3];
	s11 =	simm.s32 $0x5  }
0x4: {  	s12 =	simm.s32 $0x50;
	s13 =	simm.s32 $0x4EF0;
	s15 =	simm.s32 $0x76F0  }
0x5: {  	s17 =	simm.s32 $0x9EF0;
	s19 =	simm.s32 $0xC6F0;
	s21 =	simm.s32 $0xEEF0  }
0x6: {  	s22 =	simm.s32 $0x1;
	s24 =	simm.s32 $0x116F0;
	s29 =	simm.s32 $0x166F0  }
0x7: {  	s31 =	simm.s32 $0x18EF0;
	s14 =	simm.s32 $0x2;
	s16 =	simm.s32 $0x3  }
0x8: {  	s28 =	simm.s32 $0x4D0;
	s1 =	sand.u32 $0x1, s1;
	s3 =	sshll.u32 s8, $0x1  }
0x9: {  	s30 =	simm.s32 $0x4;
	s9 =	smul.u32 $0x9C400, s8;
	s4 =	sor.u32 s1, s3  }
0xa: {  	s3 =	simm.s32 $0x0;
	s25 =	ssub.s32 $0x2, s1;
	s1 =	smul.u32 $0x4E200, s1  }
0xb: {  	p0 =	sne.s32 s8, $0x0;
	s5 =	smul.u32 $0x4E20, s4;
	[smem:$0x7FF] =	sst s3  }
0xc: {  	s7 =	smul.u32 $0x4E200, s4;
	s10 =	sshrl.u32 s25, $0x1;
	s26 =	sadd.s32 s9, s6  }
.Ltmp0:
0xd: {  	s9 =	sshrl.u32 @!p0 s2, $0x3;
	_ =	strace $0x80000047;
	(pc) =	sbr.rel .LBB2_1-.Ltmp0, $4  }
0xe: {  	s10 =	ssub.s32 s25, s10;
	s5 =	sshrl.u32 s5, $0x3;
	s6 =	sadd.s32 s6, s7  }
0xf: {  	s4 =	sadd.s32 s0, s5;
	s5 =	smax.u32 s10, $0x1;
	s0 =	sadd.s32 s1, s26  }
0x10: {  	s7 =	sadd.s32 $0x1900, s6;
	s10 =	simm.s32 $0x70;
	s26 =	simm.s32 $0x13EF0  }
0x11: {  	s1 =	simm.s32 $0x0;
	s18 =	sadd.s32 $0x3200, s0;
	s0 =	simm.s32 $0x1B6F0  }
.LBB2_4:
0x12: {  	s1 =	sadd.s32 $0x1, s1  }
0x13: {  	p1 =	sne.s32 s1, s5  }
.Ltmp1:
0x14: {  	_ = 	snop;
	(pc) =	sbr.rel @!p1 .LBB2_5-.Ltmp1, $4  }
0x15: {  	_ = 	snop  }
0x16: {  	_ =	swait.ge [sflag:s30], $0xC800  }
0x17: {  	[sflag:s30] =	ssyncset.done $0x0  }
0x18: {  	[sflag:s30] =	ssyncadd.s32 $0xFFFF3800  }
.LBB2_1:
0x19: {  	s8 =	simm.s32 @!p0 $0x1C05;
	s20 =	rddreg [dreg:$0x1]  }
0x1a: {  	[spmem:s9], [sflag:s8] =	dma.local @!p0 [hbm:s20], $0xE0  }
0x1b: {  	s8 =	simm.s32 @!p0 $0x5  }
0x1c: {  	_ =	swait.ge @!p0 [sflag:s8], $0xE0  }
0x1d: {  	[sflag:s8] =	ssyncset.done @!p0 $0x0  }
0x1e: {  	[sflag:s8] =	ssyncadd.s32 @!p0 $0xFFFFFF20  }
0x1f: {  	[tilespmem:s10], [sflag:$0x5] =	stream.linear.gather [hbm4b:s4+s3], $0x4E20, $0x38;
	[tilespmem:$0x1DEF0] =	vst v63  }
0x20: {  	_ =	swait.ge [sflag:s11], $0x4E20  }
0x21: {  	[sflag:s11] =	ssyncset.done $0x0  }
0x22: {  	[sflag:s11] =	ssyncadd.s32 $0xFFFFB1E0  }
0x23: {  	[bflag:$0x0] =	sbarrier.arrive $0xFFFF  }
0x24: {  	[tilespmem:s13], [sflag:$0x1] =	stream.indirect.gather [spmem:s2], $0x80, s10, s12, $0xb8;
	[tilespmem:$0x1DEF0] =	vst v63  }
0x25: {  	s25 =	simm.s32 $0xC0  }
0x26: {  	[tilespmem:s15], [sflag:$0x1] =	stream.indirect.gather [spmem:s2], $0x80, s25, s12, $0xb8;
	[tilespmem:$0x1DEF0] =	vst v63  }
0x27: {  	s20 =	simm.s32 $0x110  }
0x28: {  	[tilespmem:s17], [sflag:$0x1] =	stream.indirect.gather [spmem:s2], $0x80, s20, s12, $0xb8;
	[tilespmem:$0x1DEF0] =	vst v63  }
0x29: {  	s23 =	simm.s32 $0x160  }
0x2a: {  	[tilespmem:s19], [sflag:$0x1] =	stream.indirect.gather [spmem:s2], $0x80, s23, s12, $0xb8;
	[tilespmem:$0x1DEF0] =	vst v63  }
0x2b: {  	s25 =	simm.s32 $0x1B0  }
0x2c: {  	[tilespmem:s21], [sflag:$0x1] =	stream.indirect.gather [spmem:s2], $0x80, s25, s12, $0xb8;
	[tilespmem:$0x1DEF0] =	vst v63  }
0x2d: {  	_ =	swait.ge [sflag:s22], $0x2800  }
0x2e: {  	[sflag:s22] =	ssyncset.done $0x0  }
0x2f: {  	[sflag:s22] =	ssyncadd.s32 $0xFFFFD800  }
0x30: {  	_ =	swait.ge [sflag:s22], $0x2800  }
0x31: {  	[sflag:s22] =	ssyncset.done $0x0  }
0x32: {  	[sflag:s22] =	ssyncadd.s32 $0xFFFFD800  }
0x33: {  	_ =	swait.ge [sflag:s22], $0x2800  }
0x34: {  	[sflag:s22] =	ssyncset.done $0x0  }
0x35: {  	[sflag:s22] =	ssyncadd.s32 $0xFFFFD800  }
0x36: {  	_ =	swait.ge [sflag:s22], $0x2800  }
0x37: {  	[sflag:s22] =	ssyncset.done $0x0  }
0x38: {  	[sflag:s22] =	ssyncadd.s32 $0xFFFFD800  }
0x39: {  	_ =	swait.ge [sflag:s22], $0x2800  }
0x3a: {  	[sflag:s22] =	ssyncset.done $0x0  }
0x3b: {  	[sflag:s22] =	ssyncadd.s32 $0xFFFFD800  }
0x3c: {  	[hbm4b:s6+s3] =	stream.linear.scatter [tilespmem:s13], [sflag:$0x3], $0xC800, $0x38;
	[tilespmem:$0x1DEF0] =	vst v63  }
0x3d: {  	s20 =	simm.s32 $0x200  }
0x3e: {  	[tilespmem:s24], [sflag:$0x2] =	stream.indirect.gather [spmem:s2], $0x80, s20, s12, $0xb8;
	[tilespmem:$0x1DEF0] =	vst v63  }
0x3f: {  	s23 =	simm.s32 $0x250  }
0x40: {  	[tilespmem:s26], [sflag:$0x2] =	stream.indirect.gather [spmem:s2], $0x80, s23, s12, $0xb8;
	[tilespmem:$0x1DEF0] =	vst v63  }
0x41: {  	s25 =	simm.s32 $0x2A0  }
0x42: {  	[tilespmem:s29], [sflag:$0x2] =	stream.indirect.gather [spmem:s2], $0x80, s25, s12, $0xb8;
	[tilespmem:$0x1DEF0] =	vst v63  }
0x43: {  	s20 =	simm.s32 $0x2F0  }
0x44: {  	[tilespmem:s31], [sflag:$0x2] =	stream.indirect.gather [spmem:s2], $0x80, s20, s12, $0xb8;
	[tilespmem:$0x1DEF0] =	vst v63  }
0x45: {  	s23 =	simm.s32 $0x340  }
0x46: {  	[tilespmem:s0], [sflag:$0x2] =	stream.indirect.gather [spmem:s2], $0x80, s23, s12, $0xb8;
	[tilespmem:$0x1DEF0] =	vst v63  }
0x47: {  	_ =	swait.ge [sflag:s14], $0x2800  }
0x48: {  	[sflag:s14] =	ssyncset.done $0x0  }
0x49: {  	[sflag:s14] =	ssyncadd.s32 $0xFFFFD800  }
0x4a: {  	_ =	swait.ge [sflag:s14], $0x2800  }
0x4b: {  	[sflag:s14] =	ssyncset.done $0x0  }
0x4c: {  	[sflag:s14] =	ssyncadd.s32 $0xFFFFD800  }
0x4d: {  	_ =	swait.ge [sflag:s14], $0x2800  }
0x4e: {  	[sflag:s14] =	ssyncset.done $0x0  }
0x4f: {  	[sflag:s14] =	ssyncadd.s32 $0xFFFFD800  }
0x50: {  	_ =	swait.ge [sflag:s14], $0x2800  }
0x51: {  	[sflag:s14] =	ssyncset.done $0x0  }
0x52: {  	[sflag:s14] =	ssyncadd.s32 $0xFFFFD800  }
0x53: {  	_ =	swait.ge [sflag:s14], $0x2800  }
0x54: {  	[sflag:s14] =	ssyncset.done $0x0  }
0x55: {  	[sflag:s14] =	ssyncadd.s32 $0xFFFFD800  }
0x56: {  	[hbm4b:s7+s3] =	stream.linear.scatter [tilespmem:s24], [sflag:$0x4], $0xC800, $0x38;
	[tilespmem:$0x1DEF0] =	vst v63  }
0x57: {  	_ =	swait.ge [sflag:s16], $0xC800  }
0x58: {  	[sflag:s16] =	ssyncset.done $0x0  }
0x59: {  	s25 =	simm.s32 $0x390;
	[sflag:s16] =	ssyncadd.s32 $0xFFFF3800  }
0x5a: {  	[tilespmem:s13], [sflag:$0x1] =	stream.indirect.gather [spmem:s2], $0x80, s25, s12, $0xb8;
	[tilespmem:$0x1DEF0] =	vst v63  }
0x5b: {  	s20 =	simm.s32 $0x3E0  }
0x5c: {  	[tilespmem:s15], [sflag:$0x1] =	stream.indirect.gather [spmem:s2], $0x80, s20, s12, $0xb8;
	[tilespmem:$0x1DEF0] =	vst v63  }
0x5d: {  	s23 =	simm.s32 $0x430  }
0x5e: {  	[tilespmem:s17], [sflag:$0x1] =	stream.indirect.gather [spmem:s2], $0x80, s23, s12, $0xb8;
	[tilespmem:$0x1DEF0] =	vst v63  }
0x5f: {  	s25 =	simm.s32 $0x480  }
0x60: {  	[tilespmem:s19], [sflag:$0x1] =	stream.indirect.gather [spmem:s2], $0x80, s25, s12, $0xb8;
	[tilespmem:$0x1DEF0] =	vst v63  }
0x61: {  	s8 =	smov.u32 s18;
	s20 =	simm.s32 $0x0  }
0x62: {  	[tilespmem:s21], [sflag:$0x1] =	stream.indirect.gather [spmem:s2], $0x80, s28, s12, $0xb8;
	[tilespmem:$0x1DEF0] =	vst v63  }
.LBB2_2:
0x63: {  	_ =	swait.ge [sflag:s22], $0x2800  }
0x64: {  	[sflag:s22] =	ssyncset.done $0x0  }
0x65: {  	[sflag:s22] =	ssyncadd.s32 $0xFFFFD800  }
0x66: {  	_ =	swait.ge [sflag:s22], $0x2800  }
0x67: {  	[sflag:s22] =	ssyncset.done $0x0  }
0x68: {  	[sflag:s22] =	ssyncadd.s32 $0xFFFFD800  }
0x69: {  	_ =	swait.ge [sflag:s22], $0x2800  }
0x6a: {  	[sflag:s22] =	ssyncset.done $0x0  }
0x6b: {  	[sflag:s22] =	ssyncadd.s32 $0xFFFFD800  }
0x6c: {  	_ =	swait.ge [sflag:s22], $0x2800  }
0x6d: {  	[sflag:s22] =	ssyncset.done $0x0  }
0x6e: {  	[sflag:s22] =	ssyncadd.s32 $0xFFFFD800  }
0x6f: {  	_ =	swait.ge [sflag:s22], $0x2800  }
0x70: {  	[sflag:s22] =	ssyncset.done $0x0  }
0x71: {  	[sflag:s22] =	ssyncadd.s32 $0xFFFFD800  }
0x72: {  	[hbm4b:s8+s3] =	stream.linear.scatter [tilespmem:s13], [sflag:$0x3], $0xC800, $0x38;
	[tilespmem:$0x1DEF0] =	vst v63  }
0x73: {  	_ =	swait.ge [sflag:s30], $0xC800  }
0x74: {  	s23 =	sshra.s32 s20, $0x2;
	[sflag:s30] =	ssyncset.done $0x0  }
0x75: {  	s25 =	sadd.s32 $0x520, s23;
	[sflag:s30] =	ssyncadd.s32 $0xFFFF3800  }
0x76: {  	[tilespmem:s24], [sflag:$0x2] =	stream.indirect.gather [spmem:s2], $0x80, s25, s12, $0xb8;
	[tilespmem:$0x1DEF0] =	vst v63  }
0x77: {  	s25 =	sadd.s32 $0x570, s23  }
0x78: {  	[tilespmem:s26], [sflag:$0x2] =	stream.indirect.gather [spmem:s2], $0x80, s25, s12, $0xb8;
	[tilespmem:$0x1DEF0] =	vst v63  }
0x79: {  	s25 =	sadd.s32 $0x5C0, s23  }
0x7a: {  	[tilespmem:s29], [sflag:$0x2] =	stream.indirect.gather [spmem:s2], $0x80, s25, s12, $0xb8;
	[tilespmem:$0x1DEF0] =	vst v63  }
0x7b: {  	s25 =	sadd.s32 $0x610, s23  }
0x7c: {  	[tilespmem:s31], [sflag:$0x2] =	stream.indirect.gather [spmem:s2], $0x80, s25, s12, $0xb8;
	[tilespmem:$0x1DEF0] =	vst v63  }
0x7d: {  	s25 =	sadd.s32 $0x660, s23  }
0x7e: {  	[tilespmem:s0], [sflag:$0x2] =	stream.indirect.gather [spmem:s2], $0x80, s25, s12, $0xb8;
	[tilespmem:$0x1DEF0] =	vst v63  }
0x7f: {  	_ =	swait.ge [sflag:s14], $0x2800  }
0x80: {  	[sflag:s14] =	ssyncset.done $0x0  }
0x81: {  	[sflag:s14] =	ssyncadd.s32 $0xFFFFD800  }
0x82: {  	_ =	swait.ge [sflag:s14], $0x2800  }
0x83: {  	[sflag:s14] =	ssyncset.done $0x0  }
0x84: {  	[sflag:s14] =	ssyncadd.s32 $0xFFFFD800  }
0x85: {  	_ =	swait.ge [sflag:s14], $0x2800  }
0x86: {  	[sflag:s14] =	ssyncset.done $0x0  }
0x87: {  	[sflag:s14] =	ssyncadd.s32 $0xFFFFD800  }
0x88: {  	_ =	swait.ge [sflag:s14], $0x2800  }
0x89: {  	[sflag:s14] =	ssyncset.done $0x0  }
0x8a: {  	[sflag:s14] =	ssyncadd.s32 $0xFFFFD800  }
0x8b: {  	_ =	swait.ge [sflag:s14], $0x2800  }
0x8c: {  	p1 =	seq.s32 s20, $0x11F80;
	[sflag:s14] =	ssyncset.done $0x0  }
.Ltmp2:
0x8d: {  	s25 =	sadd.s32 $0x1900, s8;
	[sflag:s14] =	ssyncadd.s32 $0xFFFFD800;
	(pc) =	sbr.rel @p1 .LBB2_4-.Ltmp2, $4  }
0x8e: {  	[hbm4b:s25+s3] =	stream.linear.scatter [tilespmem:s24], [sflag:$0x4], $0xC800, $0x38;
	[tilespmem:$0x1DEF0] =	vst v63  }
0x8f: {  	_ =	swait.ge [sflag:s16], $0xC800  }
0x90: {  	[sflag:s16] =	ssyncset.done $0x0  }
0x91: {  	[sflag:s16] =	ssyncadd.s32 $0xFFFF3800  }
0x92: {  	s25 =	sadd.s32 $0x6B0, s23  }
0x93: {  	[tilespmem:s13], [sflag:$0x1] =	stream.indirect.gather [spmem:s2], $0x80, s25, s12, $0xb8;
	[tilespmem:$0x1DEF0] =	vst v63  }
0x94: {  	s25 =	sadd.s32 $0x700, s23  }
0x95: {  	[tilespmem:s15], [sflag:$0x1] =	stream.indirect.gather [spmem:s2], $0x80, s25, s12, $0xb8;
	[tilespmem:$0x1DEF0] =	vst v63  }
0x96: {  	s25 =	sadd.s32 $0x750, s23  }
0x97: {  	[tilespmem:s17], [sflag:$0x1] =	stream.indirect.gather [spmem:s2], $0x80, s25, s12, $0xb8;
	[tilespmem:$0x1DEF0] =	vst v63  }
.Ltmp3:
0x98: {  	_ = 	snop;
	(pc) =	sbr.rel .LBB2_2-.Ltmp3, $4  }
0x99: {  	s25 =	sadd.s32 $0x7A0, s23  }
0x9a: {  	[tilespmem:s19], [sflag:$0x1] =	stream.indirect.gather [spmem:s2], $0x80, s25, s12, $0xb8;
	[tilespmem:$0x1DEF0] =	vst v63  }
0x9b: {  	s20 =	sadd.s32 $0xC80, s20;
	s8 =	sadd.s32 $0x3200, s8;
	s25 =	sadd.s32 $0x7F0, s23  }
0x9c: {  	[tilespmem:s21], [sflag:$0x1] =	stream.indirect.gather [spmem:s2], $0x80, s25, s12, $0xb8;
	[tilespmem:$0x1DEF0] =	vst v63  }
.LBB2_5:
0x9d: {  	_ =	sfence.sel $0x180000  }
0x9e: {  	[bflag:$0x0] =	sbarrier.arrive $0xFFFF  }
0x9f: {  	_ =	strace $0x90000047  }
0xa0: {  	[bflag:$0x2] =	sbarrier.arrive $0xFFFF  }
0xa1: {  	s0 =	rddreg [dreg:$0x4]  }
0xa2: {  	s0 =	sadd.s32 @!p0 $0x100000, s0  }
0xa3: {  	[sflag:s0] =	ssyncadd.tile.s32 @!p0 $0x1;
	_ =	shalt  }
.Lfunc_end2:
_tile_overlayer_lowered:
.L_overlay_start_2:
0xa4: {  	(tag) =	ssettag $0x2  }
0xa5: {  	s0 =	rddreg [dreg:$0x0];
	s2 =	stileid.u32  }
0xa6: {  	s1 =	rddreg [dreg:$0x1];
	p0 =	sne.s32 s2, $0x0  }
0xa7: {  	s3 =	rddreg [dreg:$0x2];
	[bflag:$0x3] =	sbarrier.arrive $0xFFFF;
	s2 =	simm.s32 @!p0 $0x1C05  }
0xa8: {  	[timem:s3], [sflag:s2] =	dma.local @!p0 [hbm:s0], s1  }
0xa9: {  	s0 =	simm.s32 @!p0 $0x5  }
0xaa: {  	_ =	swait.ge @!p0 [sflag:s0], s1  }
0xab: {  	s1 =	ssub.s32 @!p0 $0x0, s1;
	[sflag:s0] =	ssyncset.done @!p0 $0x0  }
0xac: {  	[sflag:s0] =	ssyncadd.s32 @!p0 s1  }
0xad: {  	[bflag:$0x3] =	sbarrier.arrive $0xFFFF  }
0xae: {  	_ =	shalt  }

</sc_bundles>
